<compile_context>
chip_gen: v7x
topology: tpu7x:2x2x1
jax: 0.10.2.dev20260603
libtpu: 0.0.44.dev20260713+nightly
codegen_flags: <defaults>
</compile_context>

<pallas_src>
import functools

import jax
import jax.numpy as jnp
from jax import lax
from jax.experimental import pallas as pl
from jax.experimental.pallas import tpu as pltpu
from jax.experimental.pallas import tpu_sc as plsc

N_DOF = 16777216
N_BND = 2097152
NW = 32
R = N_DOF // NW
CPY = 16384
NCH = R // CPY
WIN = 4096
PAD = WIN + 16


def _sc_body(q_hbm, si_hbm, sv_hbm, bnd_hbm, out_hbm,
             cpy0, cpy1, siw0, siw1, svw0, svw1, bnd_v,
             qsem, osem, lsem, bsem):
    cpy = (cpy0, cpy1)
    siw = (siw0, siw1)
    svw = (svw0, svw1)
    wid = lax.axis_index("s") * 2 + lax.axis_index("c")
    lo_t = wid * R
    lane = lax.iota(jnp.int32, 16)

    pltpu.async_copy(bnd_hbm.at[pl.ds(wid * NCH, NCH + 16)], bnd_v, bsem
                     ).wait()

    def extract(k):
        acc = jnp.zeros((16,), jnp.int32)
        for r in range(3):
            vec = bnd_v[pl.ds(r * 16, 16)]
            acc = acc + jnp.where(lane == (k - r * 16), vec, 0)
        return jnp.sum(acc)

    def win_start(c):
        e = extract(c)
        return pl.multiple_of(e - (e % 8), 8)

    def issue_in(c, par):
        pltpu.async_copy(
            q_hbm.at[pl.ds(lo_t + c * CPY, CPY)], cpy[par], qsem)
        ws = win_start(c)
        pltpu.async_copy(si_hbm.at[pl.ds(ws, WIN + 8)], siw[par], lsem)
        pltpu.async_copy(sv_hbm.at[pl.ds(ws, WIN)], svw[par], lsem)

    def wait_in(par):
        pltpu.make_async_copy(
            q_hbm.at[pl.ds(0, CPY)], cpy[par], qsem).wait()
        pltpu.make_async_copy(
            si_hbm.at[pl.ds(0, WIN + 8)], siw[par], lsem).wait()
        pltpu.make_async_copy(
            sv_hbm.at[pl.ds(0, WIN)], svw[par], lsem).wait()

    def wait_out(par):
        pltpu.make_async_copy(
            cpy[par], out_hbm.at[pl.ds(0, CPY)], osem).wait()

    def process(c, par):
        base_elem = lo_t + c * CPY

        @pl.loop(0, WIN // 16)
        def _(k):
            a = siw[par][pl.ds(k * 16, 16)]
            b = siw[par][pl.ds(k * 16 + 1, 16)]
            v = svw[par][pl.ds(k * 16, 16)]
            li = a - base_elem
            m = (a != b) & (li >= 0) & (li < CPY)
            plsc.store_scatter(cpy[par], (li,), v, mask=m)

        pltpu.async_copy(
            cpy[par], out_hbm.at[pl.ds(base_elem, CPY)], osem)

    issue_in(0, 0)
    issue_in(1, 1)

    def pair(p, carry):
        c0 = p * 2

        wait_in(0)
        process(c0, 0)

        wait_in(1)
        wait_out(0)

        @pl.when(c0 + 2 < NCH)
        def _():
            issue_in(c0 + 2, 0)

        process(c0 + 1, 1)
        wait_out(1)

        @pl.when(c0 + 3 < NCH)
        def _():
            issue_in(c0 + 3, 1)

        return carry

    lax.fori_loop(0, NCH // 2, pair, None)


@functools.cache
def _build():
    mesh = plsc.VectorSubcoreMesh(core_axis_name="c", subcore_axis_name="s")
    return pl.kernel(
        _sc_body,
        out_type=jax.ShapeDtypeStruct((N_DOF,), jnp.float32),
        mesh=mesh,
        compiler_params=pltpu.CompilerParams(needs_layout_passes=False),
        scratch_types=[
            pltpu.VMEM((CPY,), jnp.float32),
            pltpu.VMEM((CPY,), jnp.float32),
            pltpu.VMEM((WIN + 8,), jnp.int32),
            pltpu.VMEM((WIN + 8,), jnp.int32),
            pltpu.VMEM((WIN,), jnp.float32),
            pltpu.VMEM((WIN,), jnp.float32),
            pltpu.VMEM((NCH + 16,), jnp.int32),
            pltpu.SemaphoreType.DMA,
            pltpu.SemaphoreType.DMA,
            pltpu.SemaphoreType.DMA,
            pltpu.SemaphoreType.DMA,
        ],
    )


def kernel(q, _lambda, idx_b, xb_m, xb_c):
    idx = jnp.where(idx_b < 0, idx_b + N_DOF, idx_b)
    values = xb_m * _lambda + xb_c
    si, sv = lax.sort((idx, values), dimension=0, num_keys=1, is_stable=False)

    bounds = jnp.searchsorted(
        si, jnp.arange(N_DOF // CPY + 1, dtype=jnp.int32) * CPY,
        method="scan_unrolled",
    ).astype(jnp.int32)
    bounds = jnp.pad(bounds, (0, 15))
    si_p = jnp.concatenate([si, jnp.full((PAD,), -1, jnp.int32)])
    sv_p = jnp.concatenate([sv, jnp.zeros((PAD,), jnp.float32)])

    return _build()(q, si_p, sv_p, bounds)

# --- scband reference (transcript-rebuilt; emitter-appended) ---
"""Pipeline reference for scband-linear-bc-16535624089689 (READ-ONLY COPY).

The authoritative reference and input builder live on the scoring server;
editing this copy changes nothing except your own understanding.
"""

import jax, jax.numpy as jnp
import numpy as np

N_DOF = 16777216
N_BND = 2097152


def setup_inputs(seed: int = 0) -> dict:
    key = jax.random.key(seed)
    k_q, k_lam, k_idx, k_m, k_c = jax.random.split(key, 5)
    q = jax.random.normal(k_q, (N_DOF,), dtype=jnp.float32)
    _lambda = jax.random.normal(k_lam, (1,), dtype=jnp.float32)
    idx_b = jax.random.randint(k_idx, (N_BND,), 0, N_DOF, dtype=jnp.int64)
    xb_m = jax.random.normal(k_m, (N_BND,), dtype=jnp.float32)
    xb_c = jax.random.normal(k_c, (N_BND,), dtype=jnp.float32)
    return {"q": q, "_lambda": _lambda, "idx_b": idx_b, "xb_m": xb_m, "xb_c": xb_c}


def reference(q, _lambda, idx_b, xb_m, xb_c):
    # Faithful translation of LinearBC.apply(q, _lambda)
    values = xb_m * _lambda + xb_c
    if values.ndim == 2 and values.shape[0] == 1:
        values = jnp.squeeze(values, axis=0)
    # scatter-overwrite of boundary values into the state vector
    return q.at[idx_b].set(values)

if __name__ == "__main__":
    import jax
    _d = setup_inputs()
    print(jax.jit(kernel)(*tuple(_d.values())))

</pallas_src>

<mosaic_0001>
#map = affine_map<(d0, d1) -> (0)>
module attributes {stable_mosaic.version = 14 : i64} {
  func.func @_sc_body(%arg0: i32, %arg1: i32, %arg2: memref<16777216xf32, #tpu.memory_space<hbm>>, %arg3: memref<2101264xi32, #tpu.memory_space<hbm>>, %arg4: memref<2101264xf32, #tpu.memory_space<hbm>>, %arg5: memref<1040xi32, #tpu.memory_space<hbm>>, %arg6: memref<16777216xf32, #tpu.memory_space<hbm>>, %arg7: memref<16384xf32, #tpu.memory_space<vmem>>, %arg8: memref<16384xf32, #tpu.memory_space<vmem>>, %arg9: memref<4104xi32, #tpu.memory_space<vmem>>, %arg10: memref<4104xi32, #tpu.memory_space<vmem>>, %arg11: memref<4096xf32, #tpu.memory_space<vmem>>, %arg12: memref<4096xf32, #tpu.memory_space<vmem>>, %arg13: memref<48xi32, #tpu.memory_space<vmem>>, %arg14: memref<!tpu.dma_semaphore, #tpu.memory_space<semaphore_mem>>, %arg15: memref<!tpu.dma_semaphore, #tpu.memory_space<semaphore_mem>>, %arg16: memref<!tpu.dma_semaphore, #tpu.memory_space<semaphore_mem>>, %arg17: memref<!tpu.dma_semaphore, #tpu.memory_space<semaphore_mem>>) attributes {dimension_semantics = [#tpu.dimension_semantics<core_parallel>, #tpu.dimension_semantics<subcore_parallel>], iteration_bounds = array<i64: 2, 16>, scalar_prefetch = 0 : i64, scratch_operands = 11 : i64, tpu.core_type = #tpu.core_type<sc_vector_subcore>, window_params = [{transform_indices = #map}, {transform_indices = #map}, {transform_indices = #map}, {transform_indices = #map}, {transform_indices = #map}]} {
    %mul3A = arith.constant 2 : i32
    %mul3A_0 = arith.muli %arg1, %mul3A : i32
    %add3A = arith.addi %mul3A_0, %arg0 : i32
    %mul3A_1 = arith.constant 524288 : i32
    %mul3A_2 = arith.muli %add3A, %mul3A_1 : i32
    %iota3A = tpu.iota {dimensions = array<i32: 0>} : vector<16xi32>
    %mul3A_3 = arith.constant 32 : i32
    %mul3A_4 = arith.muli %add3A, %mul3A_3 : i32
    %dma_start3A = tpu.memref_slice %arg5[%mul3A_4] : memref<1040xi32, #tpu.memory_space<hbm>> -> memref<48xi32, #tpu.memory_space<hbm>>
    %dma_start3A_5 = tpu.memref_slice %arg5[%mul3A_4] : memref<1040xi32, #tpu.memory_space<hbm>> -> memref<48xi32, #tpu.memory_space<hbm>>
    tpu.enqueue_dma source(%dma_start3A_5 : memref<48xi32, #tpu.memory_space<hbm>>) target(%arg13 : memref<48xi32, #tpu.memory_space<vmem>>) target_semaphore(%arg17 : memref<!tpu.dma_semaphore, #tpu.memory_space<semaphore_mem>>)
    %dma_wait3A = tpu.memref_slice %arg5[%mul3A_4] : memref<1040xi32, #tpu.memory_space<hbm>> -> memref<48xi32, #tpu.memory_space<hbm>>
    %dma_wait3A_6 = tpu.memref_slice %arg5[%mul3A_4] : memref<1040xi32, #tpu.memory_space<hbm>> -> memref<48xi32, #tpu.memory_space<hbm>>
    tpu.wait_dma2 semaphore(%arg17 : memref<!tpu.dma_semaphore, #tpu.memory_space<semaphore_mem>>) src(%dma_wait3A_6 : memref<48xi32, #tpu.memory_space<hbm>>) dst(%arg13 : memref<48xi32, #tpu.memory_space<vmem>>)
    %add3A_7 = arith.constant 0 : i32
    %add3A_8 = arith.addi %mul3A_2, %add3A_7 : i32
    %dma_start3A_9 = tpu.memref_slice %arg2[%add3A_8] : memref<16777216xf32, #tpu.memory_space<hbm>> -> memref<16384xf32, #tpu.memory_space<hbm>>
    %dma_start3A_10 = tpu.memref_slice %arg2[%add3A_8] : memref<16777216xf32, #tpu.memory_space<hbm>> -> memref<16384xf32, #tpu.memory_space<hbm>>
    tpu.enqueue_dma source(%dma_start3A_10 : memref<16384xf32, #tpu.memory_space<hbm>>) target(%arg7 : memref<16384xf32, #tpu.memory_space<vmem>>) target_semaphore(%arg14 : memref<!tpu.dma_semaphore, #tpu.memory_space<semaphore_mem>>)
    %broadcast_in_dim3A = arith.constant 0 : i32
    %broadcast_in_dim3A_11 = vector.broadcast %broadcast_in_dim3A : i32 to vector<16xi32>
    %get3A = arith.constant 0 : index
    %get3A_12 = tpu.vector_load %arg13[%get3A] {strides = array<i32>} : memref<48xi32, #tpu.memory_space<vmem>>, vector<16xi32>,
    %eq3A = arith.constant 0 : i32
    %eq3A_13 = vector.broadcast %eq3A : i32 to vector<16xi32>
    %eq3A_14 = arith.cmpi eq, %iota3A, %eq3A_13 : vector<16xi32>
    %jit3A = arith.constant 0 : i32
    %broadcast_in_dim3A_15 = vector.broadcast %jit3A : i32 to vector<16xi32>
    %select_n3A = arith.select %eq3A_14, %get3A_12, %broadcast_in_dim3A_15 : vector<16xi1>, vector<16xi32>
    %add3A_16 = arith.addi %broadcast_in_dim3A_11, %select_n3A : vector<16xi32>
    %get3A_17 = arith.constant 16 : index
    %get3A_18 = tpu.vector_load %arg13[%get3A_17] {strides = array<i32>} : memref<48xi32, #tpu.memory_space<vmem>>, vector<16xi32>,
    %eq3A_19 = arith.constant -16 : i32
    %eq3A_20 = vector.broadcast %eq3A_19 : i32 to vector<16xi32>
    %eq3A_21 = arith.cmpi eq, %iota3A, %eq3A_20 : vector<16xi32>
    %jit3A_22 = arith.constant 0 : i32
    %broadcast_in_dim3A_23 = vector.broadcast %jit3A_22 : i32 to vector<16xi32>
    %select_n3A_24 = arith.select %eq3A_21, %get3A_18, %broadcast_in_dim3A_23 : vector<16xi1>, vector<16xi32>
    %add3A_25 = arith.addi %add3A_16, %select_n3A_24 : vector<16xi32>
    %get3A_26 = arith.constant 32 : index
    %get3A_27 = tpu.vector_load %arg13[%get3A_26] {strides = array<i32>} : memref<48xi32, #tpu.memory_space<vmem>>, vector<16xi32>,
    %eq3A_28 = arith.constant -32 : i32
    %eq3A_29 = vector.broadcast %eq3A_28 : i32 to vector<16xi32>
    %eq3A_30 = arith.cmpi eq, %iota3A, %eq3A_29 : vector<16xi32>
    %jit3A_31 = arith.constant 0 : i32
    %broadcast_in_dim3A_32 = vector.broadcast %jit3A_31 : i32 to vector<16xi32>
    %select_n3A_33 = arith.select %eq3A_30, %get3A_27, %broadcast_in_dim3A_32 : vector<16xi1>, vector<16xi32>
    %add3A_34 = arith.addi %add3A_25, %select_n3A_33 : vector<16xi32>
    %reduce_sum3A = arith.constant true
    %reduce_sum3A_35 = vector.broadcast %reduce_sum3A : i1 to vector<16xi1>
    %reduce_sum3A_36 = tpu.scan <sum>, %add3A_34 masked %reduce_sum3A_35 : vector<16xi32>, vector<16xi1> -> vector<16xi32>
    %reduce_sum3A_37 = vector.extract %reduce_sum3A_36[15] : i32 from vector<16xi32>
    %jit3A_38 = arith.constant 8 : i32
    %eq3A_39 = arith.constant 0 : i32
    %eq3A_40 = arith.cmpi eq, %jit3A_38, %eq3A_39 : i32
    %jit3A_41 = arith.constant 1 : i32
    %select_n3A_42 = arith.select %eq3A_40, %jit3A_41, %jit3A_38 : i32
    %rem3A = arith.remsi %reduce_sum3A_37, %select_n3A_42 : i32
    %ne3A = arith.constant 0 : i32
    %ne3A_43 = arith.cmpi ne, %rem3A, %ne3A : i32
    %lt3A = arith.constant 0 : i32
    %lt3A_44 = arith.cmpi slt, %rem3A, %lt3A : i32
    %lt3A_45 = arith.constant 0 : i32
    %lt3A_46 = arith.cmpi slt, %select_n3A_42, %lt3A_45 : i32
    %ne3A_47 = arith.xori %lt3A_44, %lt3A_46 : i1
    %and3A = arith.andi %ne3A_47, %ne3A_43 : i1
    %add3A_48 = arith.addi %rem3A, %select_n3A_42 : i32
    %select_n3A_49 = arith.select %and3A, %add3A_48, %rem3A : i32
    %sub3A = arith.subi %reduce_sum3A_37, %select_n3A_49 : i32
    %multiple_of3A = tpu.assume_multiple %sub3A, 8 : i32
    %dma_start3A_50 = tpu.memref_slice %arg3[%multiple_of3A] : memref<2101264xi32, #tpu.memory_space<hbm>> -> memref<4104xi32, #tpu.memory_space<hbm>>
    %dma_start3A_51 = tpu.memref_slice %arg3[%multiple_of3A] : memref<2101264xi32, #tpu.memory_space<hbm>> -> memref<4104xi32, #tpu.memory_space<hbm>>
    tpu.enqueue_dma source(%dma_start3A_51 : memref<4104xi32, #tpu.memory_space<hbm>>) target(%arg9 : memref<4104xi32, #tpu.memory_space<vmem>>) target_semaphore(%arg16 : memref<!tpu.dma_semaphore, #tpu.memory_space<semaphore_mem>>)
    %dma_start3A_52 = tpu.memref_slice %arg4[%multiple_of3A] : memref<2101264xf32, #tpu.memory_space<hbm>> -> memref<4096xf32, #tpu.memory_space<hbm>>
    %dma_start3A_53 = tpu.memref_slice %arg4[%multiple_of3A] : memref<2101264xf32, #tpu.memory_space<hbm>> -> memref<4096xf32, #tpu.memory_space<hbm>>
    tpu.enqueue_dma source(%dma_start3A_53 : memref<4096xf32, #tpu.memory_space<hbm>>) target(%arg11 : memref<4096xf32, #tpu.memory_space<vmem>>) target_semaphore(%arg16 : memref<!tpu.dma_semaphore, #tpu.memory_space<semaphore_mem>>)
    %add3A_54 = arith.constant 16384 : i32
    %add3A_55 = arith.addi %mul3A_2, %add3A_54 : i32
    %dma_start3A_56 = tpu.memref_slice %arg2[%add3A_55] : memref<16777216xf32, #tpu.memory_space<hbm>> -> memref<16384xf32, #tpu.memory_space<hbm>>
    %dma_start3A_57 = tpu.memref_slice %arg2[%add3A_55] : memref<16777216xf32, #tpu.memory_space<hbm>> -> memref<16384xf32, #tpu.memory_space<hbm>>
    tpu.enqueue_dma source(%dma_start3A_57 : memref<16384xf32, #tpu.memory_space<hbm>>) target(%arg8 : memref<16384xf32, #tpu.memory_space<vmem>>) target_semaphore(%arg14 : memref<!tpu.dma_semaphore, #tpu.memory_space<semaphore_mem>>)
    %broadcast_in_dim3A_58 = arith.constant 0 : i32
    %broadcast_in_dim3A_59 = vector.broadcast %broadcast_in_dim3A_58 : i32 to vector<16xi32>
    %get3A_60 = arith.constant 0 : index
    %get3A_61 = tpu.vector_load %arg13[%get3A_60] {strides = array<i32>} : memref<48xi32, #tpu.memory_space<vmem>>, vector<16xi32>,
    %eq3A_62 = arith.constant 1 : i32
    %eq3A_63 = vector.broadcast %eq3A_62 : i32 to vector<16xi32>
    %eq3A_64 = arith.cmpi eq, %iota3A, %eq3A_63 : vector<16xi32>
    %jit3A_65 = arith.constant 0 : i32
    %broadcast_in_dim3A_66 = vector.broadcast %jit3A_65 : i32 to vector<16xi32>
    %select_n3A_67 = arith.select %eq3A_64, %get3A_61, %broadcast_in_dim3A_66 : vector<16xi1>, vector<16xi32>
    %add3A_68 = arith.addi %broadcast_in_dim3A_59, %select_n3A_67 : vector<16xi32>
    %get3A_69 = arith.constant 16 : index
    %get3A_70 = tpu.vector_load %arg13[%get3A_69] {strides = array<i32>} : memref<48xi32, #tpu.memory_space<vmem>>, vector<16xi32>,
    %eq3A_71 = arith.constant -15 : i32
    %eq3A_72 = vector.broadcast %eq3A_71 : i32 to vector<16xi32>
    %eq3A_73 = arith.cmpi eq, %iota3A, %eq3A_72 : vector<16xi32>
    %jit3A_74 = arith.constant 0 : i32
    %broadcast_in_dim3A_75 = vector.broadcast %jit3A_74 : i32 to vector<16xi32>
    %select_n3A_76 = arith.select %eq3A_73, %get3A_70, %broadcast_in_dim3A_75 : vector<16xi1>, vector<16xi32>
    %add3A_77 = arith.addi %add3A_68, %select_n3A_76 : vector<16xi32>
    %get3A_78 = arith.constant 32 : index
    %get3A_79 = tpu.vector_load %arg13[%get3A_78] {strides = array<i32>} : memref<48xi32, #tpu.memory_space<vmem>>, vector<16xi32>,
    %eq3A_80 = arith.constant -31 : i32
    %eq3A_81 = vector.broadcast %eq3A_80 : i32 to vector<16xi32>
    %eq3A_82 = arith.cmpi eq, %iota3A, %eq3A_81 : vector<16xi32>
    %jit3A_83 = arith.constant 0 : i32
    %broadcast_in_dim3A_84 = vector.broadcast %jit3A_83 : i32 to vector<16xi32>
    %select_n3A_85 = arith.select %eq3A_82, %get3A_79, %broadcast_in_dim3A_84 : vector<16xi1>, vector<16xi32>
    %add3A_86 = arith.addi %add3A_77, %select_n3A_85 : vector<16xi32>
    %reduce_sum3A_87 = arith.constant true
    %reduce_sum3A_88 = vector.broadcast %reduce_sum3A_87 : i1 to vector<16xi1>
    %reduce_sum3A_89 = tpu.scan <sum>, %add3A_86 masked %reduce_sum3A_88 : vector<16xi32>, vector<16xi1> -> vector<16xi32>
    %reduce_sum3A_90 = vector.extract %reduce_sum3A_89[15] : i32 from vector<16xi32>
    %jit3A_91 = arith.constant 8 : i32
    %eq3A_92 = arith.constant 0 : i32
    %eq3A_93 = arith.cmpi eq, %jit3A_91, %eq3A_92 : i32
    %jit3A_94 = arith.constant 1 : i32
    %select_n3A_95 = arith.select %eq3A_93, %jit3A_94, %jit3A_91 : i32
    %rem3A_96 = arith.remsi %reduce_sum3A_90, %select_n3A_95 : i32
    %ne3A_97 = arith.constant 0 : i32
    %ne3A_98 = arith.cmpi ne, %rem3A_96, %ne3A_97 : i32
    %lt3A_99 = arith.constant 0 : i32
    %lt3A_100 = arith.cmpi slt, %rem3A_96, %lt3A_99 : i32
    %lt3A_101 = arith.constant 0 : i32
    %lt3A_102 = arith.cmpi slt, %select_n3A_95, %lt3A_101 : i32
    %ne3A_103 = arith.xori %lt3A_100, %lt3A_102 : i1
    %and3A_104 = arith.andi %ne3A_103, %ne3A_98 : i1
    %add3A_105 = arith.addi %rem3A_96, %select_n3A_95 : i32
    %select_n3A_106 = arith.select %and3A_104, %add3A_105, %rem3A_96 : i32
    %sub3A_107 = arith.subi %reduce_sum3A_90, %select_n3A_106 : i32
    %multiple_of3A_108 = tpu.assume_multiple %sub3A_107, 8 : i32
    %dma_start3A_109 = tpu.memref_slice %arg3[%multiple_of3A_108] : memref<2101264xi32, #tpu.memory_space<hbm>> -> memref<4104xi32, #tpu.memory_space<hbm>>
    %dma_start3A_110 = tpu.memref_slice %arg3[%multiple_of3A_108] : memref<2101264xi32, #tpu.memory_space<hbm>> -> memref<4104xi32, #tpu.memory_space<hbm>>
    tpu.enqueue_dma source(%dma_start3A_110 : memref<4104xi32, #tpu.memory_space<hbm>>) target(%arg10 : memref<4104xi32, #tpu.memory_space<vmem>>) target_semaphore(%arg16 : memref<!tpu.dma_semaphore, #tpu.memory_space<semaphore_mem>>)
    %dma_start3A_111 = tpu.memref_slice %arg4[%multiple_of3A_108] : memref<2101264xf32, #tpu.memory_space<hbm>> -> memref<4096xf32, #tpu.memory_space<hbm>>
    %dma_start3A_112 = tpu.memref_slice %arg4[%multiple_of3A_108] : memref<2101264xf32, #tpu.memory_space<hbm>> -> memref<4096xf32, #tpu.memory_space<hbm>>
    tpu.enqueue_dma source(%dma_start3A_112 : memref<4096xf32, #tpu.memory_space<hbm>>) target(%arg12 : memref<4096xf32, #tpu.memory_space<vmem>>) target_semaphore(%arg16 : memref<!tpu.dma_semaphore, #tpu.memory_space<semaphore_mem>>)
    %scan3A = arith.constant 0 : i32
    %scan3A_113 = arith.constant 16 : i32
    %scan3A_114 = arith.addi %scan3A, %scan3A_113 : i32
    %scan3A_115 = arith.constant 1 : i32
    scf.for %scan3A_117 = %scan3A to %scan3A_114 step %scan3A_115  : i32 {
      %mul3A_118 = arith.constant 2 : i32
      %mul3A_119 = arith.muli %scan3A_117, %mul3A_118 : i32
      %dma_wait3A_120 = arith.constant 0 : i32
      %dma_wait3A_121 = tpu.memref_slice %arg2[%dma_wait3A_120] : memref<16777216xf32, #tpu.memory_space<hbm>> -> memref<16384xf32, #tpu.memory_space<hbm>>
      %dma_wait3A_122 = arith.constant 0 : i32
      %dma_wait3A_123 = tpu.memref_slice %arg2[%dma_wait3A_122] : memref<16777216xf32, #tpu.memory_space<hbm>> -> memref<16384xf32, #tpu.memory_space<hbm>>
      tpu.wait_dma2 semaphore(%arg14 : memref<!tpu.dma_semaphore, #tpu.memory_space<semaphore_mem>>) src(%dma_wait3A_123 : memref<16384xf32, #tpu.memory_space<hbm>>) dst(%arg7 : memref<16384xf32, #tpu.memory_space<vmem>>)
      %dma_wait3A_124 = arith.constant 0 : i32
      %dma_wait3A_125 = tpu.memref_slice %arg3[%dma_wait3A_124] : memref<2101264xi32, #tpu.memory_space<hbm>> -> memref<4104xi32, #tpu.memory_space<hbm>>
      %dma_wait3A_126 = arith.constant 0 : i32
      %dma_wait3A_127 = tpu.memref_slice %arg3[%dma_wait3A_126] : memref<2101264xi32, #tpu.memory_space<hbm>> -> memref<4104xi32, #tpu.memory_space<hbm>>
      tpu.wait_dma2 semaphore(%arg16 : memref<!tpu.dma_semaphore, #tpu.memory_space<semaphore_mem>>) src(%dma_wait3A_127 : memref<4104xi32, #tpu.memory_space<hbm>>) dst(%arg9 : memref<4104xi32, #tpu.memory_space<vmem>>)
      %dma_wait3A_128 = arith.constant 0 : i32
      %dma_wait3A_129 = tpu.memref_slice %arg4[%dma_wait3A_128] : memref<2101264xf32, #tpu.memory_space<hbm>> -> memref<4096xf32, #tpu.memory_space<hbm>>
      %dma_wait3A_130 = arith.constant 0 : i32
      %dma_wait3A_131 = tpu.memref_slice %arg4[%dma_wait3A_130] : memref<2101264xf32, #tpu.memory_space<hbm>> -> memref<4096xf32, #tpu.memory_space<hbm>>
      tpu.wait_dma2 semaphore(%arg16 : memref<!tpu.dma_semaphore, #tpu.memory_space<semaphore_mem>>) src(%dma_wait3A_131 : memref<4096xf32, #tpu.memory_space<hbm>>) dst(%arg11 : memref<4096xf32, #tpu.memory_space<vmem>>)
      %mul3A_132 = arith.constant 16384 : i32
      %mul3A_133 = arith.muli %mul3A_119, %mul3A_132 : i32
      %add3A_134 = arith.addi %mul3A_2, %mul3A_133 : i32
      %scan3A_135 = arith.constant 0 : i32
      %scan3A_136 = arith.constant 256 : i32
      %scan3A_137 = arith.addi %scan3A_135, %scan3A_136 : i32
      %scan3A_138 = arith.constant 1 : i32
      scf.for %scan3A_186 = %scan3A_135 to %scan3A_137 step %scan3A_138  : i32 {
        %mul3A_187 = arith.constant 1 : i32
        %mul3A_188 = arith.muli %scan3A_186, %mul3A_187 : i32
        %add3A_189 = arith.constant 0 : i32
        %add3A_190 = arith.addi %add3A_189, %mul3A_188 : i32
        %mul3A_191 = arith.constant 16 : i32
        %mul3A_192 = arith.muli %add3A_190, %mul3A_191 : i32
        %get3A_193 = arith.index_cast %mul3A_192 : i32 to index
        %get3A_194 = tpu.vector_load %arg9[%get3A_193] {strides = array<i32>} : memref<4104xi32, #tpu.memory_space<vmem>>, vector<16xi32>,
        %mul3A_195 = arith.constant 16 : i32
        %mul3A_196 = arith.muli %add3A_190, %mul3A_195 : i32
        %add3A_197 = arith.constant 1 : i32
        %add3A_198 = arith.addi %mul3A_196, %add3A_197 : i32
        %get3A_199 = arith.index_cast %add3A_198 : i32 to index
        %get3A_200 = tpu.vector_load %arg9[%get3A_199] {strides = array<i32>} : memref<4104xi32, #tpu.memory_space<vmem>>, vector<16xi32>,
        %mul3A_201 = arith.constant 16 : i32
        %mul3A_202 = arith.muli %add3A_190, %mul3A_201 : i32
        %get3A_203 = arith.index_cast %mul3A_202 : i32 to index
        %get3A_204 = tpu.vector_load %arg11[%get3A_203] {strides = array<i32>} : memref<4096xf32, #tpu.memory_space<vmem>>, vector<16xf32>,
        %sub3A_205 = vector.broadcast %add3A_134 : i32 to vector<16xi32>
        %sub3A_206 = arith.subi %get3A_194, %sub3A_205 : vector<16xi32>
        %ne3A_207 = arith.cmpi ne, %get3A_194, %get3A_200 : vector<16xi32>
        %ge3A = arith.constant 0 : i32
        %ge3A_208 = vector.broadcast %ge3A : i32 to vector<16xi32>
        %ge3A_209 = arith.cmpi sge, %sub3A_206, %ge3A_208 : vector<16xi32>
        %and3A_210 = arith.andi %ne3A_207, %ge3A_209 : vector<16xi1>
        %lt3A_211 = arith.constant 16384 : i32
        %lt3A_212 = vector.broadcast %lt3A_211 : i32 to vector<16xi32>
        %lt3A_213 = arith.cmpi slt, %sub3A_206, %lt3A_212 : vector<16xi32>
        %and3A_214 = arith.andi %and3A_210, %lt3A_213 : vector<16xi1>
        tpu.vector_store_idx %arg7[%sub3A_206], %get3A_204 masked %and3A_214 : memref<16384xf32, #tpu.memory_space<vmem>>[vector<16xi32>], vector<16xf32>, vector<16xi1>
      }
      %scan3A_139 = arith.constant 256 : i32
      %dma_start3A_140 = tpu.memref_slice %arg6[%add3A_134] : memref<16777216xf32, #tpu.memory_space<hbm>> -> memref<16384xf32, #tpu.memory_space<hbm>>
      %dma_start3A_141 = tpu.memref_slice %arg6[%add3A_134] : memref<16777216xf32, #tpu.memory_space<hbm>> -> memref<16384xf32, #tpu.memory_space<hbm>>
      tpu.enqueue_dma source(%arg7 : memref<16384xf32, #tpu.memory_space<vmem>>) target(%dma_start3A_141 : memref<16384xf32, #tpu.memory_space<hbm>>) target_semaphore(%arg15 : memref<!tpu.dma_semaphore, #tpu.memory_space<semaphore_mem>>)
      %dma_wait3A_142 = arith.constant 0 : i32
      %dma_wait3A_143 = tpu.memref_slice %arg2[%dma_wait3A_142] : memref<16777216xf32, #tpu.memory_space<hbm>> -> memref<16384xf32, #tpu.memory_space<hbm>>
      %dma_wait3A_144 = arith.constant 0 : i32
      %dma_wait3A_145 = tpu.memref_slice %arg2[%dma_wait3A_144] : memref<16777216xf32, #tpu.memory_space<hbm>> -> memref<16384xf32, #tpu.memory_space<hbm>>
      tpu.wait_dma2 semaphore(%arg14 : memref<!tpu.dma_semaphore, #tpu.memory_space<semaphore_mem>>) src(%dma_wait3A_145 : memref<16384xf32, #tpu.memory_space<hbm>>) dst(%arg8 : memref<16384xf32, #tpu.memory_space<vmem>>)
      %dma_wait3A_146 = arith.constant 0 : i32
      %dma_wait3A_147 = tpu.memref_slice %arg3[%dma_wait3A_146] : memref<2101264xi32, #tpu.memory_space<hbm>> -> memref<4104xi32, #tpu.memory_space<hbm>>
      %dma_wait3A_148 = arith.constant 0 : i32
      %dma_wait3A_149 = tpu.memref_slice %arg3[%dma_wait3A_148] : memref<2101264xi32, #tpu.memory_space<hbm>> -> memref<4104xi32, #tpu.memory_space<hbm>>
      tpu.wait_dma2 semaphore(%arg16 : memref<!tpu.dma_semaphore, #tpu.memory_space<semaphore_mem>>) src(%dma_wait3A_149 : memref<4104xi32, #tpu.memory_space<hbm>>) dst(%arg10 : memref<4104xi32, #tpu.memory_space<vmem>>)
      %dma_wait3A_150 = arith.constant 0 : i32
      %dma_wait3A_151 = tpu.memref_slice %arg4[%dma_wait3A_150] : memref<2101264xf32, #tpu.memory_space<hbm>> -> memref<4096xf32, #tpu.memory_space<hbm>>
      %dma_wait3A_152 = arith.constant 0 : i32
      %dma_wait3A_153 = tpu.memref_slice %arg4[%dma_wait3A_152] : memref<2101264xf32, #tpu.memory_space<hbm>> -> memref<4096xf32, #tpu.memory_space<hbm>>
      tpu.wait_dma2 semaphore(%arg16 : memref<!tpu.dma_semaphore, #tpu.memory_space<semaphore_mem>>) src(%dma_wait3A_153 : memref<4096xf32, #tpu.memory_space<hbm>>) dst(%arg12 : memref<4096xf32, #tpu.memory_space<vmem>>)
      %dma_wait3A_154 = arith.constant 0 : i32
      %dma_wait3A_155 = tpu.memref_slice %arg6[%dma_wait3A_154] : memref<16777216xf32, #tpu.memory_space<hbm>> -> memref<16384xf32, #tpu.memory_space<hbm>>
      %dma_wait3A_156 = arith.constant 0 : i32
      %dma_wait3A_157 = tpu.memref_slice %arg6[%dma_wait3A_156] : memref<16777216xf32, #tpu.memory_space<hbm>> -> memref<16384xf32, #tpu.memory_space<hbm>>
      tpu.wait_dma2 semaphore(%arg15 : memref<!tpu.dma_semaphore, #tpu.memory_space<semaphore_mem>>) src(%arg7 : memref<16384xf32, #tpu.memory_space<vmem>>) dst(%dma_wait3A_157 : memref<16384xf32, #tpu.memory_space<hbm>>)
      %add3A_158 = arith.constant 2 : i32
      %add3A_159 = arith.addi %mul3A_119, %add3A_158 : i32
      %lt3A_160 = arith.constant 32 : i32
      %lt3A_161 = arith.cmpi slt, %add3A_159, %lt3A_160 : i32
      %convert_element_type3A = arith.extui %lt3A_161 : i1 to i32
      %cond3A = arith.constant 0 : i32
      %cond3A_162 = arith.cmpi ne, %convert_element_type3A, %cond3A : i32
      scf.if %cond3A_162 {
        %add3A_186 = arith.constant 2 : i32
        %add3A_187 = arith.addi %mul3A_119, %add3A_186 : i32
        %mul3A_188 = arith.constant 16384 : i32
        %mul3A_189 = arith.muli %add3A_187, %mul3A_188 : i32
        %add3A_190 = arith.addi %mul3A_2, %mul3A_189 : i32
        %dma_start3A_191 = tpu.memref_slice %arg2[%add3A_190] : memref<16777216xf32, #tpu.memory_space<hbm>> -> memref<16384xf32, #tpu.memory_space<hbm>>
        %dma_start3A_192 = tpu.memref_slice %arg2[%add3A_190] : memref<16777216xf32, #tpu.memory_space<hbm>> -> memref<16384xf32, #tpu.memory_space<hbm>>
        tpu.enqueue_dma source(%dma_start3A_192 : memref<16384xf32, #tpu.memory_space<hbm>>) target(%arg7 : memref<16384xf32, #tpu.memory_space<vmem>>) target_semaphore(%arg14 : memref<!tpu.dma_semaphore, #tpu.memory_space<semaphore_mem>>)
        %broadcast_in_dim3A_193 = arith.constant 0 : i32
        %broadcast_in_dim3A_194 = vector.broadcast %broadcast_in_dim3A_193 : i32 to vector<16xi32>
        %get3A_195 = arith.constant 0 : index
        %get3A_196 = tpu.vector_load %arg13[%get3A_195] {strides = array<i32>} : memref<48xi32, #tpu.memory_space<vmem>>, vector<16xi32>,
        %sub3A_197 = arith.constant 0 : i32
        %sub3A_198 = arith.subi %add3A_187, %sub3A_197 : i32
        %eq3A_199 = vector.broadcast %sub3A_198 : i32 to vector<16xi32>
        %eq3A_200 = arith.cmpi eq, %iota3A, %eq3A_199 : vector<16xi32>
        %jit3A_201 = arith.constant 0 : i32
        %broadcast_in_dim3A_202 = vector.broadcast %jit3A_201 : i32 to vector<16xi32>
        %select_n3A_203 = arith.select %eq3A_200, %get3A_196, %broadcast_in_dim3A_202 : vector<16xi1>, vector<16xi32>
        %add3A_204 = arith.addi %broadcast_in_dim3A_194, %select_n3A_203 : vector<16xi32>
        %get3A_205 = arith.constant 16 : index
        %get3A_206 = tpu.vector_load %arg13[%get3A_205] {strides = array<i32>} : memref<48xi32, #tpu.memory_space<vmem>>, vector<16xi32>,
        %sub3A_207 = arith.constant 16 : i32
        %sub3A_208 = arith.subi %add3A_187, %sub3A_207 : i32
        %eq3A_209 = vector.broadcast %sub3A_208 : i32 to vector<16xi32>
        %eq3A_210 = arith.cmpi eq, %iota3A, %eq3A_209 : vector<16xi32>
        %jit3A_211 = arith.constant 0 : i32
        %broadcast_in_dim3A_212 = vector.broadcast %jit3A_211 : i32 to vector<16xi32>
        %select_n3A_213 = arith.select %eq3A_210, %get3A_206, %broadcast_in_dim3A_212 : vector<16xi1>, vector<16xi32>
        %add3A_214 = arith.addi %add3A_204, %select_n3A_213 : vector<16xi32>
        %get3A_215 = arith.constant 32 : index
        %get3A_216 = tpu.vector_load %arg13[%get3A_215] {strides = array<i32>} : memref<48xi32, #tpu.memory_space<vmem>>, vector<16xi32>,
        %sub3A_217 = arith.constant 32 : i32
        %sub3A_218 = arith.subi %add3A_187, %sub3A_217 : i32
        %eq3A_219 = vector.broadcast %sub3A_218 : i32 to vector<16xi32>
        %eq3A_220 = arith.cmpi eq, %iota3A, %eq3A_219 : vector<16xi32>
        %jit3A_221 = arith.constant 0 : i32
        %broadcast_in_dim3A_222 = vector.broadcast %jit3A_221 : i32 to vector<16xi32>
        %select_n3A_223 = arith.select %eq3A_220, %get3A_216, %broadcast_in_dim3A_222 : vector<16xi1>, vector<16xi32>
        %add3A_224 = arith.addi %add3A_214, %select_n3A_223 : vector<16xi32>
        %reduce_sum3A_225 = arith.constant true
        %reduce_sum3A_226 = vector.broadcast %reduce_sum3A_225 : i1 to vector<16xi1>
        %reduce_sum3A_227 = tpu.scan <sum>, %add3A_224 masked %reduce_sum3A_226 : vector<16xi32>, vector<16xi1> -> vector<16xi32>
        %reduce_sum3A_228 = vector.extract %reduce_sum3A_227[15] : i32 from vector<16xi32>
        %jit3A_229 = arith.constant 8 : i32
        %eq3A_230 = arith.constant 0 : i32
        %eq3A_231 = arith.cmpi eq, %jit3A_229, %eq3A_230 : i32
        %jit3A_232 = arith.constant 1 : i32
        %select_n3A_233 = arith.select %eq3A_231, %jit3A_232, %jit3A_229 : i32
        %rem3A_234 = arith.remsi %reduce_sum3A_228, %select_n3A_233 : i32
        %ne3A_235 = arith.constant 0 : i32
        %ne3A_236 = arith.cmpi ne, %rem3A_234, %ne3A_235 : i32
        %lt3A_237 = arith.constant 0 : i32
        %lt3A_238 = arith.cmpi slt, %rem3A_234, %lt3A_237 : i32
        %lt3A_239 = arith.constant 0 : i32
        %lt3A_240 = arith.cmpi slt, %select_n3A_233, %lt3A_239 : i32
        %ne3A_241 = arith.xori %lt3A_238, %lt3A_240 : i1
        %and3A_242 = arith.andi %ne3A_241, %ne3A_236 : i1
        %add3A_243 = arith.addi %rem3A_234, %select_n3A_233 : i32
        %select_n3A_244 = arith.select %and3A_242, %add3A_243, %rem3A_234 : i32
        %sub3A_245 = arith.subi %reduce_sum3A_228, %select_n3A_244 : i32
        %multiple_of3A_246 = tpu.assume_multiple %sub3A_245, 8 : i32
        %dma_start3A_247 = tpu.memref_slice %arg3[%multiple_of3A_246] : memref<2101264xi32, #tpu.memory_space<hbm>> -> memref<4104xi32, #tpu.memory_space<hbm>>
        %dma_start3A_248 = tpu.memref_slice %arg3[%multiple_of3A_246] : memref<2101264xi32, #tpu.memory_space<hbm>> -> memref<4104xi32, #tpu.memory_space<hbm>>
        tpu.enqueue_dma source(%dma_start3A_248 : memref<4104xi32, #tpu.memory_space<hbm>>) target(%arg9 : memref<4104xi32, #tpu.memory_space<vmem>>) target_semaphore(%arg16 : memref<!tpu.dma_semaphore, #tpu.memory_space<semaphore_mem>>)
        %dma_start3A_249 = tpu.memref_slice %arg4[%multiple_of3A_246] : memref<2101264xf32, #tpu.memory_space<hbm>> -> memref<4096xf32, #tpu.memory_space<hbm>>
        %dma_start3A_250 = tpu.memref_slice %arg4[%multiple_of3A_246] : memref<2101264xf32, #tpu.memory_space<hbm>> -> memref<4096xf32, #tpu.memory_space<hbm>>
        tpu.enqueue_dma source(%dma_start3A_250 : memref<4096xf32, #tpu.memory_space<hbm>>) target(%arg11 : memref<4096xf32, #tpu.memory_space<vmem>>) target_semaphore(%arg16 : memref<!tpu.dma_semaphore, #tpu.memory_space<semaphore_mem>>)
      } else {
      }
      %add3A_163 = arith.constant 1 : i32
      %add3A_164 = arith.addi %mul3A_119, %add3A_163 : i32
      %mul3A_165 = arith.constant 16384 : i32
      %mul3A_166 = arith.muli %add3A_164, %mul3A_165 : i32
      %add3A_167 = arith.addi %mul3A_2, %mul3A_166 : i32
      %scan3A_168 = arith.constant 0 : i32
      %scan3A_169 = arith.constant 256 : i32
      %scan3A_170 = arith.addi %scan3A_168, %scan3A_169 : i32
      %scan3A_171 = arith.constant 1 : i32
      scf.for %scan3A_186 = %scan3A_168 to %scan3A_170 step %scan3A_171  : i32 {
        %mul3A_187 = arith.constant 1 : i32
        %mul3A_188 = arith.muli %scan3A_186, %mul3A_187 : i32
        %add3A_189 = arith.constant 0 : i32
        %add3A_190 = arith.addi %add3A_189, %mul3A_188 : i32
        %mul3A_191 = arith.constant 16 : i32
        %mul3A_192 = arith.muli %add3A_190, %mul3A_191 : i32
        %get3A_193 = arith.index_cast %mul3A_192 : i32 to index
        %get3A_194 = tpu.vector_load %arg10[%get3A_193] {strides = array<i32>} : memref<4104xi32, #tpu.memory_space<vmem>>, vector<16xi32>,
        %mul3A_195 = arith.constant 16 : i32
        %mul3A_196 = arith.muli %add3A_190, %mul3A_195 : i32
        %add3A_197 = arith.constant 1 : i32
        %add3A_198 = arith.addi %mul3A_196, %add3A_197 : i32
        %get3A_199 = arith.index_cast %add3A_198 : i32 to index
        %get3A_200 = tpu.vector_load %arg10[%get3A_199] {strides = array<i32>} : memref<4104xi32, #tpu.memory_space<vmem>>, vector<16xi32>,
        %mul3A_201 = arith.constant 16 : i32
        %mul3A_202 = arith.muli %add3A_190, %mul3A_201 : i32
        %get3A_203 = arith.index_cast %mul3A_202 : i32 to index
        %get3A_204 = tpu.vector_load %arg12[%get3A_203] {strides = array<i32>} : memref<4096xf32, #tpu.memory_space<vmem>>, vector<16xf32>,
        %sub3A_205 = vector.broadcast %add3A_167 : i32 to vector<16xi32>
        %sub3A_206 = arith.subi %get3A_194, %sub3A_205 : vector<16xi32>
        %ne3A_207 = arith.cmpi ne, %get3A_194, %get3A_200 : vector<16xi32>
        %ge3A = arith.constant 0 : i32
        %ge3A_208 = vector.broadcast %ge3A : i32 to vector<16xi32>
        %ge3A_209 = arith.cmpi sge, %sub3A_206, %ge3A_208 : vector<16xi32>
        %and3A_210 = arith.andi %ne3A_207, %ge3A_209 : vector<16xi1>
        %lt3A_211 = arith.constant 16384 : i32
        %lt3A_212 = vector.broadcast %lt3A_211 : i32 to vector<16xi32>
        %lt3A_213 = arith.cmpi slt, %sub3A_206, %lt3A_212 : vector<16xi32>
        %and3A_214 = arith.andi %and3A_210, %lt3A_213 : vector<16xi1>
        tpu.vector_store_idx %arg8[%sub3A_206], %get3A_204 masked %and3A_214 : memref<16384xf32, #tpu.memory_space<vmem>>[vector<16xi32>], vector<16xf32>, vector<16xi1>
      }
      %scan3A_172 = arith.constant 256 : i32
      %dma_start3A_173 = tpu.memref_slice %arg6[%add3A_167] : memref<16777216xf32, #tpu.memory_space<hbm>> -> memref<16384xf32, #tpu.memory_space<hbm>>
      %dma_start3A_174 = tpu.memref_slice %arg6[%add3A_167] : memref<16777216xf32, #tpu.memory_space<hbm>> -> memref<16384xf32, #tpu.memory_space<hbm>>
      tpu.enqueue_dma source(%arg8 : memref<16384xf32, #tpu.memory_space<vmem>>) target(%dma_start3A_174 : memref<16384xf32, #tpu.memory_space<hbm>>) target_semaphore(%arg15 : memref<!tpu.dma_semaphore, #tpu.memory_space<semaphore_mem>>)
      %dma_wait3A_175 = arith.constant 0 : i32
      %dma_wait3A_176 = tpu.memref_slice %arg6[%dma_wait3A_175] : memref<16777216xf32, #tpu.memory_space<hbm>> -> memref<16384xf32, #tpu.memory_space<hbm>>
      %dma_wait3A_177 = arith.constant 0 : i32
      %dma_wait3A_178 = tpu.memref_slice %arg6[%dma_wait3A_177] : memref<16777216xf32, #tpu.memory_space<hbm>> -> memref<16384xf32, #tpu.memory_space<hbm>>
      tpu.wait_dma2 semaphore(%arg15 : memref<!tpu.dma_semaphore, #tpu.memory_space<semaphore_mem>>) src(%arg8 : memref<16384xf32, #tpu.memory_space<vmem>>) dst(%dma_wait3A_178 : memref<16384xf32, #tpu.memory_space<hbm>>)
      %add3A_179 = arith.constant 3 : i32
      %add3A_180 = arith.addi %mul3A_119, %add3A_179 : i32
      %lt3A_181 = arith.constant 32 : i32
      %lt3A_182 = arith.cmpi slt, %add3A_180, %lt3A_181 : i32
      %convert_element_type3A_183 = arith.extui %lt3A_182 : i1 to i32
      %cond3A_184 = arith.constant 0 : i32
      %cond3A_185 = arith.cmpi ne, %convert_element_type3A_183, %cond3A_184 : i32
      scf.if %cond3A_185 {
        %add3A_186 = arith.constant 3 : i32
        %add3A_187 = arith.addi %mul3A_119, %add3A_186 : i32
        %mul3A_188 = arith.constant 16384 : i32
        %mul3A_189 = arith.muli %add3A_187, %mul3A_188 : i32
        %add3A_190 = arith.addi %mul3A_2, %mul3A_189 : i32
        %dma_start3A_191 = tpu.memref_slice %arg2[%add3A_190] : memref<16777216xf32, #tpu.memory_space<hbm>> -> memref<16384xf32, #tpu.memory_space<hbm>>
        %dma_start3A_192 = tpu.memref_slice %arg2[%add3A_190] : memref<16777216xf32, #tpu.memory_space<hbm>> -> memref<16384xf32, #tpu.memory_space<hbm>>
        tpu.enqueue_dma source(%dma_start3A_192 : memref<16384xf32, #tpu.memory_space<hbm>>) target(%arg8 : memref<16384xf32, #tpu.memory_space<vmem>>) target_semaphore(%arg14 : memref<!tpu.dma_semaphore, #tpu.memory_space<semaphore_mem>>)
        %broadcast_in_dim3A_193 = arith.constant 0 : i32
        %broadcast_in_dim3A_194 = vector.broadcast %broadcast_in_dim3A_193 : i32 to vector<16xi32>
        %get3A_195 = arith.constant 0 : index
        %get3A_196 = tpu.vector_load %arg13[%get3A_195] {strides = array<i32>} : memref<48xi32, #tpu.memory_space<vmem>>, vector<16xi32>,
        %sub3A_197 = arith.constant 0 : i32
        %sub3A_198 = arith.subi %add3A_187, %sub3A_197 : i32
        %eq3A_199 = vector.broadcast %sub3A_198 : i32 to vector<16xi32>
        %eq3A_200 = arith.cmpi eq, %iota3A, %eq3A_199 : vector<16xi32>
        %jit3A_201 = arith.constant 0 : i32
        %broadcast_in_dim3A_202 = vector.broadcast %jit3A_201 : i32 to vector<16xi32>
        %select_n3A_203 = arith.select %eq3A_200, %get3A_196, %broadcast_in_dim3A_202 : vector<16xi1>, vector<16xi32>
        %add3A_204 = arith.addi %broadcast_in_dim3A_194, %select_n3A_203 : vector<16xi32>
        %get3A_205 = arith.constant 16 : index
        %get3A_206 = tpu.vector_load %arg13[%get3A_205] {strides = array<i32>} : memref<48xi32, #tpu.memory_space<vmem>>, vector<16xi32>,
        %sub3A_207 = arith.constant 16 : i32
        %sub3A_208 = arith.subi %add3A_187, %sub3A_207 : i32
        %eq3A_209 = vector.broadcast %sub3A_208 : i32 to vector<16xi32>
        %eq3A_210 = arith.cmpi eq, %iota3A, %eq3A_209 : vector<16xi32>
        %jit3A_211 = arith.constant 0 : i32
        %broadcast_in_dim3A_212 = vector.broadcast %jit3A_211 : i32 to vector<16xi32>
        %select_n3A_213 = arith.select %eq3A_210, %get3A_206, %broadcast_in_dim3A_212 : vector<16xi1>, vector<16xi32>
        %add3A_214 = arith.addi %add3A_204, %select_n3A_213 : vector<16xi32>
        %get3A_215 = arith.constant 32 : index
        %get3A_216 = tpu.vector_load %arg13[%get3A_215] {strides = array<i32>} : memref<48xi32, #tpu.memory_space<vmem>>, vector<16xi32>,
        %sub3A_217 = arith.constant 32 : i32
        %sub3A_218 = arith.subi %add3A_187, %sub3A_217 : i32
        %eq3A_219 = vector.broadcast %sub3A_218 : i32 to vector<16xi32>
        %eq3A_220 = arith.cmpi eq, %iota3A, %eq3A_219 : vector<16xi32>
        %jit3A_221 = arith.constant 0 : i32
        %broadcast_in_dim3A_222 = vector.broadcast %jit3A_221 : i32 to vector<16xi32>
        %select_n3A_223 = arith.select %eq3A_220, %get3A_216, %broadcast_in_dim3A_222 : vector<16xi1>, vector<16xi32>
        %add3A_224 = arith.addi %add3A_214, %select_n3A_223 : vector<16xi32>
        %reduce_sum3A_225 = arith.constant true
        %reduce_sum3A_226 = vector.broadcast %reduce_sum3A_225 : i1 to vector<16xi1>
        %reduce_sum3A_227 = tpu.scan <sum>, %add3A_224 masked %reduce_sum3A_226 : vector<16xi32>, vector<16xi1> -> vector<16xi32>
        %reduce_sum3A_228 = vector.extract %reduce_sum3A_227[15] : i32 from vector<16xi32>
        %jit3A_229 = arith.constant 8 : i32
        %eq3A_230 = arith.constant 0 : i32
        %eq3A_231 = arith.cmpi eq, %jit3A_229, %eq3A_230 : i32
        %jit3A_232 = arith.constant 1 : i32
        %select_n3A_233 = arith.select %eq3A_231, %jit3A_232, %jit3A_229 : i32
        %rem3A_234 = arith.remsi %reduce_sum3A_228, %select_n3A_233 : i32
        %ne3A_235 = arith.constant 0 : i32
        %ne3A_236 = arith.cmpi ne, %rem3A_234, %ne3A_235 : i32
        %lt3A_237 = arith.constant 0 : i32
        %lt3A_238 = arith.cmpi slt, %rem3A_234, %lt3A_237 : i32
        %lt3A_239 = arith.constant 0 : i32
        %lt3A_240 = arith.cmpi slt, %select_n3A_233, %lt3A_239 : i32
        %ne3A_241 = arith.xori %lt3A_238, %lt3A_240 : i1
        %and3A_242 = arith.andi %ne3A_241, %ne3A_236 : i1
        %add3A_243 = arith.addi %rem3A_234, %select_n3A_233 : i32
        %select_n3A_244 = arith.select %and3A_242, %add3A_243, %rem3A_234 : i32
        %sub3A_245 = arith.subi %reduce_sum3A_228, %select_n3A_244 : i32
        %multiple_of3A_246 = tpu.assume_multiple %sub3A_245, 8 : i32
        %dma_start3A_247 = tpu.memref_slice %arg3[%multiple_of3A_246] : memref<2101264xi32, #tpu.memory_space<hbm>> -> memref<4104xi32, #tpu.memory_space<hbm>>
        %dma_start3A_248 = tpu.memref_slice %arg3[%multiple_of3A_246] : memref<2101264xi32, #tpu.memory_space<hbm>> -> memref<4104xi32, #tpu.memory_space<hbm>>
        tpu.enqueue_dma source(%dma_start3A_248 : memref<4104xi32, #tpu.memory_space<hbm>>) target(%arg10 : memref<4104xi32, #tpu.memory_space<vmem>>) target_semaphore(%arg16 : memref<!tpu.dma_semaphore, #tpu.memory_space<semaphore_mem>>)
        %dma_start3A_249 = tpu.memref_slice %arg4[%multiple_of3A_246] : memref<2101264xf32, #tpu.memory_space<hbm>> -> memref<4096xf32, #tpu.memory_space<hbm>>
        %dma_start3A_250 = tpu.memref_slice %arg4[%multiple_of3A_246] : memref<2101264xf32, #tpu.memory_space<hbm>> -> memref<4096xf32, #tpu.memory_space<hbm>>
        tpu.enqueue_dma source(%dma_start3A_250 : memref<4096xf32, #tpu.memory_space<hbm>>) target(%arg12 : memref<4096xf32, #tpu.memory_space<vmem>>) target_semaphore(%arg16 : memref<!tpu.dma_semaphore, #tpu.memory_space<semaphore_mem>>)
      } else {
      }
    }
    %scan3A_116 = arith.constant 16 : i32
    return
  }
}

</mosaic_0001>

<sc_bundles>
// kernel: kernel.3.cloned.1.call-start
scs
__scs_entry_jumppad:
0x0: {  	(pc) =	sbr.rel $0x88, $3  }
0x1: {  	(tag) =	ssettag $0x0;
	lr =	simm.s32 $0x1  }
0x2: {  	[smem:$0x3F9C] =	sst lr;
	_ =	strace $0xD0000000  }
0x3: {  	_ = 	snop  }
0x4: {  	_ = 	snop  }
0x5: {  	_ = 	snop  }
0x6: {  	_ = 	snop  }
0x7: {  	_ = 	snop  }
__scs_overlays_trampoline_lowered:
0x8: {  	[smem:$0x3FAB] =	sst s0  }
0x9: {  	[smem:$0x3FAC] =	sst s1  }
0xa: {  	[smem:$0x3FAD] =	sst s2  }
0xb: {  	[smem:$0x3FAE] =	sst s3  }
0xc: {  	[smem:$0x3FAF] =	sst s4  }
0xd: {  	[smem:$0x3FB0] =	sst s5  }
0xe: {  	[smem:$0x3FB1] =	sst s6  }
0xf: {  	[smem:$0x3FB2] =	sst s7  }
0x10: {  	[smem:$0x3FB3] =	sst s8  }
0x11: {  	[smem:$0x3FB4] =	sst s9;
	s0 =	simm.s32 @!p0 $0x0  }
0x12: {  	s1 =	sld [smem:$0x3F9A];
	s0 =	simm.s32 @p0 $0x1  }
0x13: {  	[smem:$0x3FB5] =	sst s0;
	s0 =	simm.s32 @!p1 $0x0  }
0x14: {  	s2 =	sld [smem:$0x3F99];
	s0 =	simm.s32 @p1 $0x1  }
0x15: {  	[smem:$0x3FB6] =	sst s0;
	s0 =	simm.s32 @!p2 $0x0  }
0x16: {  	s3 =	sld [smem:$0x3FDB];
	s0 =	simm.s32 @p2 $0x1  }
0x17: {  	s4 =	simm.s32 $0x1BF5;
	[smem:$0x3FB8] =	sst s0  }
0x18: {  	s0 =	sld [smem:$0x3F9B];
	_ =	swait.ge [sflag:s4], $0x0  }
0x19: {  	s7 =	sld [smem:$0x3F9C]  }
0x1a: {  	s8 =	sadd.s32 $0xFFFFE003, lr  }
0x1b: {  	s9 =	sadd.s32 $0xFFFFFEF7, lr;
	s5 =	simm.s32 $0xFFFFFFFF;
	p2 =	slt.u32 s8, $0xFFFFF086  }
0x1c: {  	p1 =	slt.u32 s9, $0xF7A;
	s5 =	simm.s32 @!p2 $0x0  }
0x1d: {  	s5 =	simm.s32 @p1 $0x1;
	p0 =	seq.s32 s7, s2  }
0x1e: {  	s7 =	smul.u32 @!p0 $0xF7A, s2;
	p2 =	seq.s32 @!p0 s5, $0x0  }
0x1f: {  	s9 =	smul.u32 $0xF7A, s1;
	s8 =	simm.s32 @!p0 $0x1BF5;
	p2 =	por !p2, p0  }
0x20: {  	[sflag:s8] =	ssyncset.s32 @!p0 $0xFFFFF086;
	s6 =	sadd.s32 @!p0 s3, s7;
	s7 =	simm.s32 @!p0 $0x108  }
0x21: {  	s3 =	sadd.s32 s3, s9;
	s6 =	sadd.s32 @!p0 $0x88, s6;
	s7 =	simm.s32 @p2 $0x1082  }
0x22: {  	[simem:s7], [sflag:s8] =	dma.local @!p0 [hbm:s6], $0xF7A  }
0x23: {  	s9 =	sor.u32 $0xD0000000, s2;
	s6 =	simm.s32 $0x108;
	_ =	swait.ge @!p0 [sflag:s8], $0x0  }
0x24: {  	s3 =	sadd.s32 $0x88, s3;
	s6 =	simm.s32 @!p1 $0x1082;
	[sflag:s4] =	ssyncset.s32 $0xFFFFF086  }
0x25: {  	[simem:s6], [sflag:s4] =	dma.local [hbm:s3], $0xF7A  }
0x26: {  	[smem:$0x3F9C] =	sst s1;
	(tag) =	ssettag s2;
	_ =	strace s9  }
0x27: {  	s1 =	sld [smem:$0x3FAC]  }
0x28: {  	s2 =	sld [smem:$0x3FAD]  }
0x29: {  	s4 =	sld [smem:$0x3FAF]  }
0x2a: {  	p0 =	seq.s32 s5, $0x0;
	s5 =	sld [smem:$0x3FB0]  }
0x2b: {  	s6 =	sld [smem:$0x3FB1]  }
0x2c: {  	s7 =	sld [smem:$0x3FB2]  }
0x2d: {  	s3 =	simm.s32 $0x108;
	s8 =	sld [smem:$0x3FB3]  }
0x2e: {  	s3 =	simm.s32 @!p0 $0x1082;
	s9 =	sld [smem:$0x3FB4]  }
0x2f: {  	lr =	sadd.s32 s0, s3;
	s0 =	sld [smem:$0x3FAB]  }
0x30: {  	s3 =	sld [smem:$0x3FAE]  }
0x31: {  	[smem:$0x3FB7] =	sst s10  }
0x32: {  	s10 =	sld [smem:$0x3FB5];
	_ =	sdelay $0x3  }
0x33: {  	p0 =	seq.s32 s10, $0x1;
	s10 =	sld [smem:$0x3FB7];
	_ =	sdelay $0x3  }
0x34: {  	[smem:$0x3FB7] =	sst s10  }
0x35: {  	s10 =	sld [smem:$0x3FB6];
	_ =	sdelay $0x3  }
0x36: {  	p1 =	seq.s32 s10, $0x1;
	s10 =	sld [smem:$0x3FB7];
	_ =	sdelay $0x3  }
0x37: {  	[smem:$0x3FB7] =	sst s10  }
0x38: {  	s10 =	sld [smem:$0x3FB8]  }
0x39: {  	_ = 	snop;
	(pc) =	sbr.ind lr, $3  }
0x3a: {  	_ = 	snop  }
0x3b: {  	_ = 	snop  }
0x3c: {  	p2 =	seq.s32 s10, $0x1;
	s10 =	sld [smem:$0x3FB7]  }
0x3d: {  	_ =	shalt  }
0x3e: {  	_ =	shalt  }
0x3f: {  	_ =	shalt  }
0x40: {  	_ =	shalt  }
0x41: {  	_ =	shalt  }
0x42: {  	_ =	shalt  }
0x43: {  	_ =	shalt  }
0x44: {  	_ =	shalt  }
0x45: {  	_ =	shalt  }
0x46: {  	_ =	shalt  }
0x47: {  	_ =	shalt  }
0x48: {  	_ =	shalt  }
0x49: {  	_ =	shalt  }
0x4a: {  	_ =	shalt  }
0x4b: {  	_ =	shalt  }
0x4c: {  	_ =	shalt  }
0x4d: {  	_ =	shalt  }
0x4e: {  	_ =	shalt  }
0x4f: {  	_ =	shalt  }
0x50: {  	_ =	shalt  }
0x51: {  	_ =	shalt  }
0x52: {  	_ =	shalt  }
0x53: {  	_ =	shalt  }
0x54: {  	_ =	shalt  }
0x55: {  	_ =	shalt  }
0x56: {  	_ =	shalt  }
0x57: {  	_ =	shalt  }
0x58: {  	_ =	shalt  }
0x59: {  	_ =	shalt  }
0x5a: {  	_ =	shalt  }
0x5b: {  	_ =	shalt  }
0x5c: {  	_ =	shalt  }
0x5d: {  	_ =	shalt  }
0x5e: {  	_ =	shalt  }
0x5f: {  	_ =	shalt  }
0x60: {  	_ =	shalt  }
0x61: {  	_ =	shalt  }
0x62: {  	_ =	shalt  }
0x63: {  	_ =	shalt  }
0x64: {  	_ =	shalt  }
0x65: {  	_ =	shalt  }
0x66: {  	_ =	shalt  }
0x67: {  	_ =	shalt  }
0x68: {  	_ =	shalt  }
0x69: {  	_ =	shalt  }
0x6a: {  	_ =	shalt  }
0x6b: {  	_ =	shalt  }
0x6c: {  	_ =	shalt  }
0x6d: {  	_ =	shalt  }
0x6e: {  	_ =	shalt  }
0x6f: {  	_ =	shalt  }
0x70: {  	_ =	shalt  }
0x71: {  	_ =	shalt  }
0x72: {  	_ =	shalt  }
0x73: {  	_ =	shalt  }
0x74: {  	_ =	shalt  }
0x75: {  	_ =	shalt  }
0x76: {  	_ =	shalt  }
0x77: {  	_ =	shalt  }
0x78: {  	_ =	shalt  }
0x79: {  	_ =	shalt  }
0x7a: {  	_ =	shalt  }
0x7b: {  	_ =	shalt  }
0x7c: {  	_ =	shalt  }
0x7d: {  	_ =	shalt  }
0x7e: {  	_ =	shalt  }
0x7f: {  	_ =	shalt  }
0x80: {  	_ =	shalt  }
0x81: {  	_ =	shalt  }
0x82: {  	_ =	shalt  }
0x83: {  	_ =	shalt  }
0x84: {  	_ =	shalt  }
0x85: {  	_ =	shalt  }
0x86: {  	_ =	shalt  }
0x87: {  	_ =	shalt  }
.Lfunc_end0:
.L_simem_size_0:
called_computation_lowered:
.L_overlay_start_0:
0x88: {  	s2 =	sld [smem:$0x3FD9]  }
0x89: {  	s3 =	sld [smem:$0x3FFE];
	_ =	sdelay $0x1  }
0x8a: {  	s1 =	srdreg.scid  }
0x8b: {  	s0 =	sand.u32 $0x1, s1  }
0x8c: {  	s17 =	sshll.u32 s0, $0xA;
	s2 =	sadd.s32 s3, s2  }
0x8d: {  	s2 =	sadd.s32 s2, s17  }
0x8e: {  	[smem:$0x3FC3] =	sst s2  }
0x8f: {  	_ = 	snop  }
0x90: {  	s2 =	sld [smem:$0x3FC9]  }
0x91: {  	s18 =	sld [smem:$0x3FD0];
	(tm) =	ssettm $0x1  }
0x92: {  	s4 =	sld [smem:$0x3FFB];
	_ =	sdelay $0x3  }
0x93: {  	_ =	strace s4  }
0x94: {  	s4 =	sld [smem:$0x3FFC];
	_ =	sdelay $0x3  }
0x95: {  	_ =	strace s4  }
0x96: {  	s4 =	sld [smem:$0x3FFD];
	_ =	sdelay $0x3  }
0x97: {  	_ =	strace s4  }
0x98: {  	_ =	strace $0x8FFFFFFF  }
0x99: {  	s19 =	sld [smem:$0x3FDB];
	_ =	sdelay $0x1  }
0x9a: {  	s5 =	simm.s32 $_scs_section_size  }
0x9b: {  	s6 =	simm.s32 $_size__tile_overlayer_lowered;
	s7 =	simm.s32 $_tile_overlayer_lowered  }
0x9c: {  	s22 =	simm.s32 $0x1BFF;
	s21 =	sshll.u32 s7, $0x1;
	s4 =	sadd.s32 s5, s19  }
0x9d: {  	s8 =	simm.s32 $0x0;
	s20 =	sshll.u32 s6, $0x1;
	s6 =	sadd.s32 s21, s4  }
0x9e: {  	[timem:s8], [sflag:s22] =	dma.local [hbm:s6], s20  }
0x9f: {  	_ =	swait.ge [sflag:s22], s20  }
0xa0: {  	s5 =	ssub.s32 $0x0, s20;
	[sflag:s22] =	ssyncset.done $0x0  }
0xa1: {  	[sflag:s22] =	ssyncadd.s32 s5;
	_ =	sdelay $0x1  }
0xa2: {  	s23 =	simm.s32 $0x1B8B  }
0xa3: {  	_ =	swait.ge [sflag:s23], $0x1  }
0xa4: {  	[sflag:s23] =	ssyncset.done $0x0  }
0xa5: {  	s25 =	simm.s32 $0x1B8E;
	s24 =	sld [smem:$0x3FFE];
	[sflag:s23] =	ssyncadd.s32 $0xFFFFFFFF  }
0xa6: {  	s26 =	simm.s32 $execute0_lowered;
	[smem:$0x3FD2] =	sst s25  }
0xa7: {  	s6 =	sshll.u32 s26, $0x1;
	_ =	strace $0x80000046;
	[dreg:$0x1] =	wrdreg $0xFFFFFFFF  }
0xa8: {  	s28 =	simm.s32 $_size_execute0_lowered;
	s4 =	sadd.s32 s4, s6;
	[dreg:$0x0] =	wrdreg $0x0  }
0xa9: {  	s6 =	sshll.u32 s28, $0x1;
	[dreg:$0x2] =	wrdreg s4  }
0xaa: {  	[dreg:$0x3] =	wrdreg s6  }
0xab: {  	[dreg:$0x4] =	wrdreg $0xC0  }
0xac: {  	_ =	task [dreg:s8], $0x5FFFF  }
0xad: {  	[dreg:$0x1] =	wrdreg $0xFFFFFFFF  }
0xae: {  	[dreg:$0x0] =	wrdreg $0x60  }
0xaf: {  	[dreg:$0x2] =	wrdreg s2  }
0xb0: {  	[dreg:$0x3] =	wrdreg s24  }
0xb1: {  	[dreg:$0x4] =	wrdreg s18  }
0xb2: {  	[dreg:$0x5] =	wrdreg $0x9  }
0xb3: {  	_ =	task.clear_ibuf [dreg:s8], $0x6FFFF;
	_ =	strace $0x90000046  }
0xb4: {  	s29 =	simm.s32 $0x9;
	_ =	strace $0x80000048  }
0xb5: {  	_ =	swait.ge [sflag:s29], $0x1  }
0xb6: {  	[sflag:s29] =	ssyncadd.s32 $0xFFFFFFFF  }
0xb7: {  	_ =	strace $0x90000048  }
0xb8: {  	_ =	sfence  }
0xb9: {  	s30 =	sld [smem:$0x0];
	_ =	sdelay $0x2  }
0xba: {  	s31 =	sshll.u32 s1, $0xD;
	s1 =	sshrl.u32 s1, $0x2  }
0xbb: {  	s3 =	sand.u32 $0x4000, s31;
	s1 =	sadd.s32 s1, s30  }
0xbc: {  	s0 =	sor.u32 s3, s0;
	s1 =	sshll.u32 s1, $0x11  }
0xbd: {  	s0 =	sor.u32 s1, s0  }
0xbe: {  	s0 =	sadd.s32 $0x8F2B, s0  }
0xbf: {  	[sflag:s0] =	ssyncadd.remote.s32 $0x1  }
0xc0: {  	_ =	sfence.sel $0xFFFF  }
0xc1: {  	[dreg:$0x0] =	wrdreg $0xFFFFFFFF;
	(pc) =	sbr.abs _section_cstart, $3  }
0xc2: {  	[dreg:$0x1] =	wrdreg $0xFFFFFFFF  }
0xc3: {  	_ =	task.clear_ibuf [dreg:s8], $0x2FFFF;
	_ =	strace $0x9FFFFFFF  }
0xc4: {  	(tm) =	ssettm $0x7FFFFFFF  }
0xc5: {  	_ =	shalt  }
tec
execute0_lowered:
.L_overlay_start_1:
0x0: {  	(tag) =	ssettag $0x1  }
0x1: {  	s1 =	rddreg [dreg:$0x0]  }
0x2: {  	s2 =	rddreg [dreg:$0x1]  }
0x3: {  	s3 =	rddreg [dreg:$0x2]  }
0x4: {  	s0 =	rddreg [dreg:$0x3];
	s5 =	simm.s32 $0x0;
	s6 =	srdreg.scid  }
0x5: {  	s4 =	stileid.u32;
	s13 =	simm.s32 $0x4;
	s14 =	simm.s32 $0x8000  }
0x6: {  	s15 =	simm.s32 $0xA100;
	s16 =	simm.s32 $0x4000;
	s17 =	simm.s32 $0x9080  }
0x7: {  	s18 =	simm.s32 $0xB100;
	s19 =	simm.s32 $0x1;
	s20 =	simm.s32 $0x3  }
0x8: {  	s21 =	simm.s32 $0x2;
	s22 =	simm.s32 $0x0;
	[smem:$0x7FF] =	sst s5  }
0x9: {  	s7 =	sand.u32 $0x1, s6;
	s8 =	sshll.u32 s4, $0x1;
	s6 =	sadd.s32 $0x40600, s2  }
.Ltmp0:
0xa: {  	s8 =	sor.u32 s7, s8;
	s7 =	ssub.s32 $0x2, s7;
	(pc) =	sbr.rel .LBB2_1-.Ltmp0, $4  }
0xb: {  	_ =	strace $0x80000047;
	s9 =	sshll.u32 s8, $0x2;
	s10 =	sshrl.u32 s7, $0x1  }
0xc: {  	s11 =	sshll.u32 s8, $0x10;
	s8 =	sshll.u32 s8, $0x13;
	s9 =	sadd.s32 s9, s2  }
0xd: {  	s12 =	ssub.s32 s7, s10;
	s7 =	sadd.s32 s1, s11;
	s9 =	sadd.s32 $0x40400, s9  }
0xe: {  	vm0 =	vmmov $0x1;
	vm1 =	vcmask $0x308;
	v0 =	vlaneseq.u32;
	s10 =	sadd.s32 $0x800, s7;
	s11 =	smax.u32 s12, $0x1;
	s12 =	simm.s32 $0xC100  }
.LBB2_8:
0xf: {  	s22 =	sadd.s32 $0x1, s22  }
0x10: {  	p0 =	sne.s32 s22, s11  }
.Ltmp1:
0x11: {  	_ = 	snop;
	(pc) =	sbr.rel @!p0 .LBB2_9-.Ltmp1, $1  }
0x12: {  	_ =	sdelay $0x3  }
.LBB2_1:
0x13: {  	[tilespmem:s12], [sflag:$0x4] =	stream.linear.gather [hbm4b:s9+s5], $0x30, $0x38;
	[tilespmem:$0xC180] =	vst v63  }
0x14: {  	_ =	swait.ge [sflag:s13], $0x30  }
0x15: {  	[sflag:s13] =	ssyncset.done $0x0  }
0x16: {  	[sflag:s13] =	ssyncadd.s32 $0xFFFFFFD0  }
0x17: {  	[tilespmem:s5], [sflag:$0x1] =	stream.linear.gather [hbm4b:s7+s5], $0x4000, $0x38;
	[tilespmem:$0xC180] =	vst v63  }
0x18: {  	v1 =	vld [tilespmem:$0xC100];
	_ =	sdelay $0x4  }
0x19: {  	v1 =	vnsel vm0, $0x0, v1  }
0x1a: {  	(xrf0) =	vadd.scan.msk.s32 $0xffff, v1;
	_ =	sdelay $0x5  }
0x1b: {  	v1, _, _ =	vpop (xrf0)  }
0x1c: {  	(v2sf) =	vpush v1, $0xF;
	_ =	sdelay $0xe  }
0x1d: {  	s23 =	spop (v2sf)  }
0x1e: {  	s23 =	sshrl.u32 s23, $0x3  }
0x1f: {  	s24 =	sadd.s32 s2, s23  }
0x20: {  	[tilespmem:s14], [sflag:$0x3] =	stream.linear.gather [hbm4b:s24+s5], $0x1008, $0x38;
	[tilespmem:$0xC180] =	vst v63  }
0x21: {  	s23 =	sadd.s32 s6, s23  }
0x22: {  	[tilespmem:s15], [sflag:$0x3] =	stream.linear.gather [hbm4b:s23+s5], $0x1000, $0x38;
	[tilespmem:$0xC180] =	vst v63  }
0x23: {  	_ = 	snop  }
0x24: {  	[tilespmem:s16], [sflag:$0x1] =	stream.linear.gather [hbm4b:s10+s5], $0x4000, $0x38;
	[tilespmem:$0xC180] =	vst v63  }
0x25: {  	v1 =	vld [tilespmem:$0xC100];
	_ =	sdelay $0x4  }
0x26: {  	v1 =	vsel vm1, $0x0, v1  }
0x27: {  	(xrf0) =	vadd.scan.msk.s32 $0xffff, v1;
	_ =	sdelay $0x5  }
0x28: {  	v1, _, _ =	vpop (xrf0)  }
0x29: {  	(v2sf) =	vpush v1, $0xF;
	_ =	sdelay $0xe  }
0x2a: {  	s30 =	spop (v2sf)  }
0x2b: {  	s23 =	sshrl.u32 s30, $0x3  }
0x2c: {  	s31 =	sadd.s32 s2, s23  }
0x2d: {  	[tilespmem:s17], [sflag:$0x3] =	stream.linear.gather [hbm4b:s31+s5], $0x1008, $0x38;
	[tilespmem:$0xC180] =	vst v63  }
0x2e: {  	s23 =	sadd.s32 s6, s23  }
0x2f: {  	[tilespmem:s18], [sflag:$0x3] =	stream.linear.gather [hbm4b:s23+s5], $0x1000, $0x38;
	[tilespmem:$0xC180] =	vst v63  }
0x30: {  	s23 =	simm.s32 $0x0  }
.LBB2_2:
0x31: {  	_ =	swait.ge [sflag:s19], $0x4000  }
0x32: {  	[sflag:s19] =	ssyncset.done $0x0  }
0x33: {  	[sflag:s19] =	ssyncadd.s32 $0xFFFFC000  }
0x34: {  	_ =	swait.ge [sflag:s20], $0x1008  }
0x35: {  	[sflag:s20] =	ssyncset.done $0x0  }
0x36: {  	[sflag:s20] =	ssyncadd.s32 $0xFFFFEFF8  }
0x37: {  	s24 =	sshll.u32 s23, $0xF;
	_ =	swait.ge [sflag:s20], $0x1000  }
0x38: {  	s25 =	sor.u32 s8, s24;
	[sflag:s20] =	ssyncset.done $0x0  }
0x39: {  	s26 =	simm.s32 $0x40;
	s24 =	simm.s32 $0x0;
	v1 =	vmov s25;
	[sflag:s20] =	ssyncadd.s32 $0xFFFFF000  }
.LBB2_3:
0x3a: {  	p0 =	sne.s32 s26, $0x3FC0;
	v2 =	vld [tilespmem:s24+$0x8000]  }
0x3b: {  	v3 =	vld [tilespmem:s24+$0x8001];
	_ =	sdelay $0x3  }
0x3c: {  	v4 =	vsub.s32 v2, v1  }
0x3d: {  	vm2 =	vne.s32 v2, v3;
	vm3 =	vlt.u32 v4, $0x4000  }
0x3e: {  	v3 =	vand.u32 $0xFFFFFF80, v4;
	v2 =	vand.u32 $0x7F, v2;
	vm2 =	vmand vm2, vm3  }
0x3f: {  	v2 =	vor.u32 v2, v3;
	v4 =	vld [tilespmem:s24+$0xA100]  }
.Ltmp2:
0x40: {  	(pc) =	sbr.rel @p0 .LBB2_3-.Ltmp2, $2  }
0x41: {  	_ =	sdelay $0x2  }
0x42: {  	s24 =	sshra.s32 s26, $0x2;
	s26 =	sadd.s32 $0x40, s26;
	[tilespmem:v2+s5+$0x0] =	vst.idx.msk vm2, v4  }
0x43: {  	v2 =	vld [tilespmem:s24+$0x8000]  }
0x44: {  	v3 =	vld [tilespmem:s24+$0x8001];
	_ =	sdelay $0x3  }
0x45: {  	v1 =	vsub.s32 v2, v1  }
0x46: {  	vm2 =	vne.s32 v2, v3;
	vm3 =	vlt.u32 v1, $0x4000  }
0x47: {  	v2 =	vand.u32 $0x7F, v2;
	v1 =	vand.u32 $0xFFFFFF80, v1;
	vm2 =	vmand vm2, vm3  }
0x48: {  	v3 =	vld [tilespmem:s24+$0xA100];
	v1 =	vor.u32 v2, v1;
	_ =	sdelay $0x3  }
0x49: {  	s31 =	sshrl.u32 s25, $0x3  }
0x4a: {  	s24 =	sadd.s32 s3, s31;
	[tilespmem:v1+s5+$0x0] =	vst.idx.msk vm2, v3  }
0x4b: {  	[hbm4b:s24+s5] =	stream.linear.scatter [tilespmem:s5], [sflag:$0x2], $0x4000, $0x38;
	[tilespmem:$0xC180] =	vst v63  }
0x4c: {  	_ =	swait.ge [sflag:s19], $0x4000  }
0x4d: {  	[sflag:s19] =	ssyncset.done $0x0  }
0x4e: {  	[sflag:s19] =	ssyncadd.s32 $0xFFFFC000  }
0x4f: {  	_ =	swait.ge [sflag:s20], $0x1008  }
0x50: {  	[sflag:s20] =	ssyncset.done $0x0  }
0x51: {  	[sflag:s20] =	ssyncadd.s32 $0xFFFFEFF8  }
0x52: {  	p0 =	seq.s32 s23, $0xF;
	s24 =	sshll.u32 s23, $0x1;
	_ =	swait.ge [sflag:s20], $0x1000  }
0x53: {  	s26 =	sadd.s32 @!p0 $0x2, s24;
	[sflag:s20] =	ssyncset.done $0x0  }
0x54: {  	s28 =	sshll.u32 @!p0 s26, $0xE;
	[sflag:s20] =	ssyncadd.s32 $0xFFFFF000  }
0x55: {  	s28 =	sadd.s32 @!p0 s8, s28;
	_ =	swait.ge [sflag:s21], $0x4000  }
0x56: {  	s28 =	sshrl.u32 @!p0 s28, $0x3;
	[sflag:s21] =	ssyncset.done $0x0  }
0x57: {  	s29 =	simm.s32 @!p0 $0x0;
	s28 =	sadd.s32 @!p0 s1, s28;
	[sflag:s21] =	ssyncadd.s32 $0xFFFFC000  }
0x58: {  	[tilespmem:s29], [sflag:$0x1] =	stream.linear.gather @!p0 [hbm4b:s28+s29], $0x4000, $0x38;
	[tilespmem:$0xC180] =	vst v63  }
0x59: {  	v1 =	vld @!p0 [tilespmem:$0xC100]  }
0x5a: {  	v2 =	vld @!p0 [tilespmem:$0xC110]  }
0x5b: {  	v3 =	vld @!p0 [tilespmem:$0xC120]  }
0x5c: {  	s28 =	sadd.s32 @!p0 $0xFFFFFFF2, s24  }
0x5d: {  	v5 =	vlaneseq.u32 @!p0;
	v4 =	vmov @!p0 s26;
	s26 =	sadd.s32 @!p0 $0xFFFFFFE2, s24;
	v6 =	vmov @!p0 s28  }
0x5e: {  	vm2 =	veq.s32 @!p0 v4, v5;
	v4 =	vmov @!p0 s26;
	vm3 =	veq.s32 @!p0 v6, v5  }
0x5f: {  	v1 =	vnsel @!p0 vm2, $0x0, v1;
	vm2 =	veq.s32 @!p0 v4, v5;
	v2 =	vnsel @!p0 vm3, $0x0, v2  }
0x60: {  	v1 =	vadd.s32 @!p0 v1, v2;
	v2 =	vnsel @!p0 vm2, $0x0, v3  }
0x61: {  	v1 =	vadd.s32 @!p0 v2, v1  }
0x62: {  	(xrf0) =	vadd.scan.msk.s32 @!p0 $0xffff, v1;
	_ =	sdelay $0x5  }
0x63: {  	v1, _, _ =	vpop @!p0 (xrf0)  }
0x64: {  	(v2sf) =	vpush @!p0 v1, $0xF;
	_ =	sdelay $0xe  }
0x65: {  	s26 =	spop @!p0 (v2sf)  }
0x66: {  	s26 =	sshrl.u32 @!p0 s26, $0x3  }
0x67: {  	s30 =	simm.s32 @!p0 $0x8000;
	s28 =	sadd.s32 @!p0 s2, s26  }
0x68: {  	[tilespmem:s30], [sflag:$0x3] =	stream.linear.gather @!p0 [hbm4b:s28+s29], $0x1008, $0x38;
	[tilespmem:$0xC180] =	vst v63  }
0x69: {  	s25 =	sor.u32 $0x4000, s25;
	s26 =	sadd.s32 @!p0 s6, s26;
	s28 =	simm.s32 @!p0 $0xA100  }
0x6a: {  	[tilespmem:s28], [sflag:$0x3] =	stream.linear.gather @!p0 [hbm4b:s26+s29], $0x1000, $0x38;
	[tilespmem:$0xC180] =	vst v63  }
0x6b: {  	v1 =	vmov s25;
	s26 =	simm.s32 $0x0;
	s28 =	simm.s32 $0x40  }
.LBB2_5:
0x6c: {  	p1 =	sne.s32 s28, $0x3FC0;
	v2 =	vld [tilespmem:s26+$0x9080]  }
0x6d: {  	v3 =	vld [tilespmem:s26+$0x9081];
	_ =	sdelay $0x3  }
0x6e: {  	v4 =	vsub.s32 v2, v1  }
0x6f: {  	vm2 =	vne.s32 v2, v3;
	vm3 =	vlt.u32 v4, $0x4000  }
0x70: {  	v3 =	vand.u32 $0xFFFFFF80, v4;
	v2 =	vand.u32 $0x7F, v2;
	vm2 =	vmand vm2, vm3  }
0x71: {  	v2 =	vor.u32 v2, v3;
	v4 =	vld [tilespmem:s26+$0xB100]  }
.Ltmp3:
0x72: {  	(pc) =	sbr.rel @p1 .LBB2_5-.Ltmp3, $2  }
0x73: {  	_ =	sdelay $0x2  }
0x74: {  	s26 =	sshra.s32 s28, $0x2;
	s28 =	sadd.s32 $0x40, s28;
	[tilespmem:v2+s16+$0x0] =	vst.idx.msk vm2, v4  }
0x75: {  	v2 =	vld [tilespmem:s26+$0x9080]  }
0x76: {  	v3 =	vld [tilespmem:s26+$0x9081];
	_ =	sdelay $0x3  }
0x77: {  	v1 =	vsub.s32 v2, v1  }
0x78: {  	vm2 =	vne.s32 v2, v3;
	vm3 =	vlt.u32 v1, $0x4000  }
0x79: {  	v2 =	vand.u32 $0x7F, v2;
	v1 =	vand.u32 $0xFFFFFF80, v1;
	vm2 =	vmand vm2, vm3  }
0x7a: {  	v3 =	vld [tilespmem:s26+$0xB100];
	v1 =	vor.u32 v2, v1;
	_ =	sdelay $0x3  }
0x7b: {  	s25 =	sshrl.u32 s25, $0x3  }
.Ltmp4:
0x7c: {  	s25 =	sadd.s32 s3, s25;
	[tilespmem:v1+s16+$0x0] =	vst.idx.msk vm2, v3;
	(pc) =	sbr.rel @p0 .LBB2_8-.Ltmp4, $4  }
0x7d: {  	[hbm4b:s25+s5] =	stream.linear.scatter [tilespmem:s16], [sflag:$0x2], $0x4000, $0x38;
	[tilespmem:$0xC180] =	vst v63  }
0x7e: {  	_ =	swait.ge [sflag:s21], $0x4000  }
0x7f: {  	[sflag:s21] =	ssyncset.done $0x0  }
0x80: {  	[sflag:s21] =	ssyncadd.s32 $0xFFFFC000  }
0x81: {  	s25 =	sadd.s32 $0x3, s24  }
0x82: {  	s26 =	sshll.u32 s25, $0xE  }
0x83: {  	s26 =	sadd.s32 s8, s26  }
0x84: {  	s26 =	sshrl.u32 s26, $0x3  }
0x85: {  	s26 =	sadd.s32 s1, s26  }
0x86: {  	[tilespmem:s16], [sflag:$0x1] =	stream.linear.gather [hbm4b:s26+s5], $0x4000, $0x38;
	[tilespmem:$0xC180] =	vst v63  }
0x87: {  	v1 =	vld [tilespmem:$0xC100]  }
0x88: {  	v2 =	vld [tilespmem:$0xC110]  }
0x89: {  	v3 =	vld [tilespmem:$0xC120]  }
0x8a: {  	s28 =	sadd.s32 $0xFFFFFFF3, s24  }
0x8b: {  	s29 =	sadd.s32 $0xFFFFFFE3, s24;
	v4 =	vmov s25;
	v5 =	vmov s28  }
0x8c: {  	v63 =	vmov s29;
	vm2 =	veq.s32 v4, v0;
	vm3 =	veq.s32 v5, v0  }
0x8d: {  	v1 =	vnsel vm2, $0x0, v1;
	v2 =	vnsel vm3, $0x0, v2;
	vm2 =	veq.s32 v63, v0  }
0x8e: {  	v1 =	vadd.s32 v1, v2;
	v2 =	vnsel vm2, $0x0, v3  }
0x8f: {  	v1 =	vadd.s32 v2, v1  }
0x90: {  	(xrf0) =	vadd.scan.msk.s32 $0xffff, v1;
	_ =	sdelay $0x5  }
0x91: {  	v1, _, _ =	vpop (xrf0)  }
0x92: {  	(v2sf) =	vpush v1, $0xF;
	_ =	sdelay $0xe  }
0x93: {  	s30 =	spop (v2sf)  }
.Ltmp5:
0x94: {  	s24 =	sshrl.u32 s30, $0x3;
	(pc) =	sbr.rel .LBB2_2-.Ltmp5, $4  }
0x95: {  	s31 =	sadd.s32 s2, s24  }
0x96: {  	[tilespmem:s17], [sflag:$0x3] =	stream.linear.gather [hbm4b:s31+s5], $0x1008, $0x38;
	[tilespmem:$0xC180] =	vst v63  }
0x97: {  	s23 =	sadd.s32 $0x1, s23;
	s24 =	sadd.s32 s6, s24  }
0x98: {  	[tilespmem:s18], [sflag:$0x3] =	stream.linear.gather [hbm4b:s24+s5], $0x1000, $0x38;
	[tilespmem:$0xC180] =	vst v63  }
.LBB2_9:
0x99: {  	_ =	sfence.sel $0x180000  }
0x9a: {  	[bflag:$0x0] =	sbarrier.arrive $0xFFFF  }
0x9b: {  	p0 =	sne.s32 s4, $0x0;
	_ =	strace $0x90000047  }
0x9c: {  	s0 =	sadd.s32 @!p0 $0x100000, s0;
	[bflag:$0x2] =	sbarrier.arrive $0xFFFF  }
0x9d: {  	[sflag:s0] =	ssyncadd.tile.s32 @!p0 $0x1;
	_ =	shalt  }
.Lfunc_end2:
_tile_overlayer_lowered:
.L_overlay_start_2:
0x9e: {  	(tag) =	ssettag $0x2  }
0x9f: {  	s0 =	rddreg [dreg:$0x0];
	s2 =	stileid.u32  }
0xa0: {  	s1 =	rddreg [dreg:$0x1];
	p0 =	sne.s32 s2, $0x0  }
0xa1: {  	s3 =	rddreg [dreg:$0x2];
	[bflag:$0x3] =	sbarrier.arrive $0xFFFF;
	s2 =	simm.s32 @!p0 $0x1C05  }
0xa2: {  	[timem:s3], [sflag:s2] =	dma.local @!p0 [hbm:s0], s1  }
0xa3: {  	s0 =	simm.s32 @!p0 $0x5  }
0xa4: {  	_ =	swait.ge @!p0 [sflag:s0], s1  }
0xa5: {  	s1 =	ssub.s32 @!p0 $0x0, s1;
	[sflag:s0] =	ssyncset.done @!p0 $0x0  }
0xa6: {  	[sflag:s0] =	ssyncadd.s32 @!p0 s1  }
0xa7: {  	[bflag:$0x3] =	sbarrier.arrive $0xFFFF  }
0xa8: {  	_ =	shalt  }

</sc_bundles>
